<compile_context>
chip_gen: v7x
topology: tpu7x:2x2x1
jax: 0.10.2.dev20260603
libtpu: 0.0.44.dev20260713+nightly
codegen_flags: <defaults>
</compile_context>

<pallas_src>
import functools

import jax
import jax.numpy as jnp
from jax import lax
from jax.experimental import pallas as pl
from jax.experimental.pallas import tpu as pltpu
from jax.experimental.pallas import tpu_sc as plsc

TOTAL_TOK = 16384
EMB = 128
NBOUND = 17

_info = plsc.get_sparse_core_info()
_NC, _NS = _info.num_cores, _info.num_subcores
_NW = _NC * _NS
_B_PER_W = TOTAL_TOK // _NW


def _gather_body(token_hbm, cu_hbm, table_hbm, out_hbm, out_cu_hbm,
                 idx_v, rows_v, cu_v):
    wid = lax.axis_index("s") * _NC + lax.axis_index("c")
    base = wid * _B_PER_W
    pltpu.sync_copy(token_hbm.at[pl.ds(base, _B_PER_W)], idx_v)
    pltpu.sync_copy(table_hbm.at[idx_v], rows_v)
    pltpu.sync_copy(rows_v, out_hbm.at[pl.ds(base, _B_PER_W)])

    @pl.when(wid == 0)
    def _():
        pltpu.sync_copy(cu_hbm, cu_v)
        pltpu.sync_copy(cu_v, out_cu_hbm)


_mesh = plsc.VectorSubcoreMesh(core_axis_name="c", subcore_axis_name="s")

_gather = functools.partial(
    pl.kernel,
    mesh=_mesh,
    out_type=(
        jax.ShapeDtypeStruct((TOTAL_TOK, EMB), jnp.float32),
        jax.ShapeDtypeStruct((NBOUND,), jnp.int32),
    ),
    scratch_types=[
        pltpu.VMEM((_B_PER_W,), jnp.int32),
        pltpu.VMEM((_B_PER_W, EMB), jnp.float32),
        pltpu.VMEM((NBOUND,), jnp.int32),
    ],
)(_gather_body)


@jax.jit
def kernel(token_ids, cu_seqlens, table):
    all_embs, boundaries = _gather(
        token_ids.astype(jnp.int32), cu_seqlens.astype(jnp.int32), table)
    return (all_embs, boundaries)

# --- scband reference (transcript-rebuilt; emitter-appended) ---
"""Pipeline reference for scband-lookup-embeddings-18124761989456 (READ-ONLY COPY).

The authoritative reference and input builder live on the scoring server;
editing this copy changes nothing except your own understanding.
"""

import jax, jax.numpy as jnp
import numpy as np

TOTAL_TOK = 16384
BATCH = 16
VOCAB = 100000
EMB = 128

def setup_inputs(seed: int = 0) -> dict:
    key = jax.random.key(seed)
    k1, k2, k3 = jax.random.split(key, 3)
    token_ids = jax.random.randint(k1, (TOTAL_TOK,), 0, VOCAB, dtype=jnp.int64 if jax.config.jax_enable_x64 else jnp.int32)
    inner = jnp.sort(jax.random.randint(k2, (BATCH - 1,), 0, TOTAL_TOK, dtype=jnp.int32))
    cu_seqlens = jnp.concatenate([jnp.array([0], dtype=jnp.int32), inner, jnp.array([TOTAL_TOK], dtype=jnp.int32)])
    table = jax.random.normal(k3, (VOCAB, EMB), dtype=jnp.float32)
    return {"token_ids": token_ids, "cu_seqlens": cu_seqlens, "table": table}

def reference(token_ids, cu_seqlens, table):
    # Faithful translation of LookupEmbeddings.forward: the module flattens all
    # token lists per batch item into one packed sequence, looks up each token's
    # embedding row (self.embedding.weight[self.vocab[token]]), and returns the
    # packed embeddings plus per-item cumulative boundaries.
    # Flat representation: token_ids is the packed token index stream, cu_seqlens
    # are the cumulative boundaries (np.cumsum([0] + lens)).
    all_embs = jnp.take(table, token_ids, axis=0)  # [total_tok, emb_size]
    boundaries = cu_seqlens
    return (all_embs, boundaries)

if __name__ == "__main__":
    import jax
    _d = setup_inputs()
    print(jax.jit(kernel)(*tuple(_d.values())))

</pallas_src>

<mosaic_0001>
#map = affine_map<(d0, d1) -> (0)>
#map1 = affine_map<(d0, d1) -> (0, 0)>
module attributes {stable_mosaic.version = 14 : i64} {
  func.func @_gather_body(%arg0: i32, %arg1: i32, %arg2: memref<16384xi32, #tpu.memory_space<hbm>>, %arg3: memref<17xi32, #tpu.memory_space<hbm>>, %arg4: memref<100000x128xf32, #tpu.memory_space<hbm>>, %arg5: memref<16384x128xf32, #tpu.memory_space<hbm>>, %arg6: memref<17xi32, #tpu.memory_space<hbm>>, %arg7: memref<512xi32, #tpu.memory_space<vmem>>, %arg8: memref<512x128xf32, #tpu.memory_space<vmem>>, %arg9: memref<17xi32, #tpu.memory_space<vmem>>) attributes {dimension_semantics = [#tpu.dimension_semantics<core_parallel>, #tpu.dimension_semantics<subcore_parallel>], iteration_bounds = array<i64: 2, 16>, scalar_prefetch = 0 : i64, scratch_operands = 3 : i64, tpu.core_type = #tpu.core_type<sc_vector_subcore>, window_params = [{transform_indices = #map}, {transform_indices = #map}, {transform_indices = #map1}, {transform_indices = #map1}, {transform_indices = #map}]} {
    %mul3A = arith.constant 2 : i32
    %mul3A_0 = arith.muli %arg1, %mul3A : i32
    %add3A = arith.addi %mul3A_0, %arg0 : i32
    %mul3A_1 = arith.constant 512 : i32
    %mul3A_2 = arith.muli %add3A, %mul3A_1 : i32
    "tpu.region"() ({
      %run_scoped3A = tpu.sem_alloc : memref<!tpu.dma_semaphore, #tpu.memory_space<semaphore_mem>>
      %dma_start3A = tpu.memref_slice %arg2[%mul3A_2] : memref<16384xi32, #tpu.memory_space<hbm>> -> memref<512xi32, #tpu.memory_space<hbm>>
      %dma_start3A_5 = tpu.memref_slice %arg2[%mul3A_2] : memref<16384xi32, #tpu.memory_space<hbm>> -> memref<512xi32, #tpu.memory_space<hbm>>
      tpu.enqueue_dma source(%dma_start3A_5 : memref<512xi32, #tpu.memory_space<hbm>>) target(%arg7 : memref<512xi32, #tpu.memory_space<vmem>>) target_semaphore(%run_scoped3A : memref<!tpu.dma_semaphore, #tpu.memory_space<semaphore_mem>>)
      %dma_wait3A = tpu.memref_slice %arg2[%mul3A_2] : memref<16384xi32, #tpu.memory_space<hbm>> -> memref<512xi32, #tpu.memory_space<hbm>>
      %dma_wait3A_6 = tpu.memref_slice %arg2[%mul3A_2] : memref<16384xi32, #tpu.memory_space<hbm>> -> memref<512xi32, #tpu.memory_space<hbm>>
      tpu.wait_dma2 semaphore(%run_scoped3A : memref<!tpu.dma_semaphore, #tpu.memory_space<semaphore_mem>>) src(%dma_wait3A_6 : memref<512xi32, #tpu.memory_space<hbm>>) dst(%arg7 : memref<512xi32, #tpu.memory_space<vmem>>)
      tpu.yield
    }) : () -> ()
    "tpu.region"() ({
      %run_scoped3A = tpu.sem_alloc : memref<!tpu.dma_semaphore, #tpu.memory_space<semaphore_mem>>
      %dma_start3A = arith.constant 0 : i32
      %dma_start3A_5 = arith.constant 0 : i32
      %dma_start3A_6 = tpu.memref_slice %arg4[%dma_start3A, %dma_start3A_5] : memref<100000x128xf32, #tpu.memory_space<hbm>> -> memref<100000x128xf32, #tpu.memory_space<hbm>>
      tpu.enqueue_indirect_dma source(%dma_start3A_6 : memref<100000x128xf32, #tpu.memory_space<hbm>>) target(%arg8 : memref<512x128xf32, #tpu.memory_space<vmem>>) offsets(%arg7 : memref<512xi32, #tpu.memory_space<vmem>>) semaphore(%run_scoped3A : memref<!tpu.dma_semaphore, #tpu.memory_space<semaphore_mem>>)
      %dma_wait3A = arith.constant 0 : i32
      %dma_wait3A_7 = arith.constant 0 : i32
      %dma_wait3A_8 = tpu.memref_slice %arg4[%dma_wait3A, %dma_wait3A_7] : memref<100000x128xf32, #tpu.memory_space<hbm>> -> memref<100000x128xf32, #tpu.memory_space<hbm>>
      tpu.wait_indirect_dma semaphore(%run_scoped3A : memref<!tpu.dma_semaphore, #tpu.memory_space<semaphore_mem>>) src(%dma_wait3A_8 : memref<100000x128xf32, #tpu.memory_space<hbm>>) dst(%arg8 : memref<512x128xf32, #tpu.memory_space<vmem>>)
      tpu.yield
    }) : () -> ()
    "tpu.region"() ({
      %run_scoped3A = tpu.sem_alloc : memref<!tpu.dma_semaphore, #tpu.memory_space<semaphore_mem>>
      %dma_start3A = arith.constant 0 : i32
      %dma_start3A_5 = tpu.memref_slice %arg5[%mul3A_2, %dma_start3A] : memref<16384x128xf32, #tpu.memory_space<hbm>> -> memref<512x128xf32, #tpu.memory_space<hbm>>
      %dma_start3A_6 = arith.constant 0 : i32
      %dma_start3A_7 = tpu.memref_slice %arg5[%mul3A_2, %dma_start3A_6] : memref<16384x128xf32, #tpu.memory_space<hbm>> -> memref<512x128xf32, #tpu.memory_space<hbm>>
      tpu.enqueue_dma source(%arg8 : memref<512x128xf32, #tpu.memory_space<vmem>>) target(%dma_start3A_7 : memref<512x128xf32, #tpu.memory_space<hbm>>) target_semaphore(%run_scoped3A : memref<!tpu.dma_semaphore, #tpu.memory_space<semaphore_mem>>)
      %dma_wait3A = arith.constant 0 : i32
      %dma_wait3A_8 = tpu.memref_slice %arg5[%mul3A_2, %dma_wait3A] : memref<16384x128xf32, #tpu.memory_space<hbm>> -> memref<512x128xf32, #tpu.memory_space<hbm>>
      %dma_wait3A_9 = arith.constant 0 : i32
      %dma_wait3A_10 = tpu.memref_slice %arg5[%mul3A_2, %dma_wait3A_9] : memref<16384x128xf32, #tpu.memory_space<hbm>> -> memref<512x128xf32, #tpu.memory_space<hbm>>
      tpu.wait_dma2 semaphore(%run_scoped3A : memref<!tpu.dma_semaphore, #tpu.memory_space<semaphore_mem>>) src(%arg8 : memref<512x128xf32, #tpu.memory_space<vmem>>) dst(%dma_wait3A_10 : memref<512x128xf32, #tpu.memory_space<hbm>>)
      tpu.yield
    }) : () -> ()
    %eq3A = arith.constant 0 : i32
    %eq3A_3 = arith.cmpi eq, %add3A, %eq3A : i32
    %convert_element_type3A = arith.extui %eq3A_3 : i1 to i32
    %cond3A = arith.constant 0 : i32
    %cond3A_4 = arith.cmpi ne, %convert_element_type3A, %cond3A : i32
    scf.if %cond3A_4 {
      "tpu.region"() ({
        %run_scoped3A = tpu.sem_alloc : memref<!tpu.dma_semaphore, #tpu.memory_space<semaphore_mem>>
        tpu.enqueue_dma source(%arg3 : memref<17xi32, #tpu.memory_space<hbm>>) target(%arg9 : memref<17xi32, #tpu.memory_space<vmem>>) target_semaphore(%run_scoped3A : memref<!tpu.dma_semaphore, #tpu.memory_space<semaphore_mem>>)
        tpu.wait_dma2 semaphore(%run_scoped3A : memref<!tpu.dma_semaphore, #tpu.memory_space<semaphore_mem>>) src(%arg3 : memref<17xi32, #tpu.memory_space<hbm>>) dst(%arg9 : memref<17xi32, #tpu.memory_space<vmem>>)
        tpu.yield
      }) : () -> ()
      "tpu.region"() ({
        %run_scoped3A = tpu.sem_alloc : memref<!tpu.dma_semaphore, #tpu.memory_space<semaphore_mem>>
        tpu.enqueue_dma source(%arg9 : memref<17xi32, #tpu.memory_space<vmem>>) target(%arg6 : memref<17xi32, #tpu.memory_space<hbm>>) target_semaphore(%run_scoped3A : memref<!tpu.dma_semaphore, #tpu.memory_space<semaphore_mem>>)
        tpu.wait_dma2 semaphore(%run_scoped3A : memref<!tpu.dma_semaphore, #tpu.memory_space<semaphore_mem>>) src(%arg9 : memref<17xi32, #tpu.memory_space<vmem>>) dst(%arg6 : memref<17xi32, #tpu.memory_space<hbm>>)
        tpu.yield
      }) : () -> ()
    } else {
    }
    return
  }
}

</mosaic_0001>

<sc_bundles>
// kernel: kernel.3.cloned.1.call-start
scs
__scs_entry_jumppad:
0x0: {  	(pc) =	sbr.rel $0x88, $3  }
0x1: {  	(tag) =	ssettag $0x0;
	lr =	simm.s32 $0x1  }
0x2: {  	[smem:$0x3F9E] =	sst lr;
	_ =	strace $0xD0000000  }
0x3: {  	_ = 	snop  }
0x4: {  	_ = 	snop  }
0x5: {  	_ = 	snop  }
0x6: {  	_ = 	snop  }
0x7: {  	_ = 	snop  }
__scs_overlays_trampoline_lowered:
0x8: {  	[smem:$0x3FAD] =	sst s0  }
0x9: {  	[smem:$0x3FAE] =	sst s1  }
0xa: {  	[smem:$0x3FAF] =	sst s2  }
0xb: {  	[smem:$0x3FB0] =	sst s3  }
0xc: {  	[smem:$0x3FB1] =	sst s4  }
0xd: {  	[smem:$0x3FB2] =	sst s5  }
0xe: {  	[smem:$0x3FB3] =	sst s6  }
0xf: {  	[smem:$0x3FB4] =	sst s7  }
0x10: {  	[smem:$0x3FB5] =	sst s8  }
0x11: {  	[smem:$0x3FB6] =	sst s9;
	s0 =	simm.s32 @!p0 $0x0  }
0x12: {  	s1 =	sld [smem:$0x3F9C];
	s0 =	simm.s32 @p0 $0x1  }
0x13: {  	[smem:$0x3FB7] =	sst s0;
	s0 =	simm.s32 @!p1 $0x0  }
0x14: {  	s2 =	sld [smem:$0x3F9B];
	s0 =	simm.s32 @p1 $0x1  }
0x15: {  	[smem:$0x3FB8] =	sst s0;
	s0 =	simm.s32 @!p2 $0x0  }
0x16: {  	s3 =	sld [smem:$0x3FDB];
	s0 =	simm.s32 @p2 $0x1  }
0x17: {  	s4 =	simm.s32 $0x1BF5;
	[smem:$0x3FBA] =	sst s0  }
0x18: {  	s0 =	sld [smem:$0x3F9D];
	_ =	swait.ge [sflag:s4], $0x0  }
0x19: {  	s7 =	sld [smem:$0x3F9E]  }
0x1a: {  	s8 =	sadd.s32 $0xFFFFE003, lr  }
0x1b: {  	s9 =	sadd.s32 $0xFFFFFEF7, lr;
	s5 =	simm.s32 $0xFFFFFFFF;
	p2 =	slt.u32 s8, $0xFFFFF086  }
0x1c: {  	p1 =	slt.u32 s9, $0xF7A;
	s5 =	simm.s32 @!p2 $0x0  }
0x1d: {  	s5 =	simm.s32 @p1 $0x1;
	p0 =	seq.s32 s7, s2  }
0x1e: {  	s7 =	smul.u32 @!p0 $0xF7A, s2;
	p2 =	seq.s32 @!p0 s5, $0x0  }
0x1f: {  	s9 =	smul.u32 $0xF7A, s1;
	s8 =	simm.s32 @!p0 $0x1BF5;
	p2 =	por !p2, p0  }
0x20: {  	[sflag:s8] =	ssyncset.s32 @!p0 $0xFFFFF086;
	s6 =	sadd.s32 @!p0 s3, s7;
	s7 =	simm.s32 @!p0 $0x108  }
0x21: {  	s3 =	sadd.s32 s3, s9;
	s6 =	sadd.s32 @!p0 $0x88, s6;
	s7 =	simm.s32 @p2 $0x1082  }
0x22: {  	[simem:s7], [sflag:s8] =	dma.local @!p0 [hbm:s6], $0xF7A  }
0x23: {  	s9 =	sor.u32 $0xD0000000, s2;
	s6 =	simm.s32 $0x108;
	_ =	swait.ge @!p0 [sflag:s8], $0x0  }
0x24: {  	s3 =	sadd.s32 $0x88, s3;
	s6 =	simm.s32 @!p1 $0x1082;
	[sflag:s4] =	ssyncset.s32 $0xFFFFF086  }
0x25: {  	[simem:s6], [sflag:s4] =	dma.local [hbm:s3], $0xF7A  }
0x26: {  	[smem:$0x3F9E] =	sst s1;
	(tag) =	ssettag s2;
	_ =	strace s9  }
0x27: {  	s1 =	sld [smem:$0x3FAE]  }
0x28: {  	s2 =	sld [smem:$0x3FAF]  }
0x29: {  	s4 =	sld [smem:$0x3FB1]  }
0x2a: {  	p0 =	seq.s32 s5, $0x0;
	s5 =	sld [smem:$0x3FB2]  }
0x2b: {  	s6 =	sld [smem:$0x3FB3]  }
0x2c: {  	s7 =	sld [smem:$0x3FB4]  }
0x2d: {  	s3 =	simm.s32 $0x108;
	s8 =	sld [smem:$0x3FB5]  }
0x2e: {  	s3 =	simm.s32 @!p0 $0x1082;
	s9 =	sld [smem:$0x3FB6]  }
0x2f: {  	lr =	sadd.s32 s0, s3;
	s0 =	sld [smem:$0x3FAD]  }
0x30: {  	s3 =	sld [smem:$0x3FB0]  }
0x31: {  	[smem:$0x3FB9] =	sst s10  }
0x32: {  	s10 =	sld [smem:$0x3FB7];
	_ =	sdelay $0x3  }
0x33: {  	p0 =	seq.s32 s10, $0x1;
	s10 =	sld [smem:$0x3FB9];
	_ =	sdelay $0x3  }
0x34: {  	[smem:$0x3FB9] =	sst s10  }
0x35: {  	s10 =	sld [smem:$0x3FB8];
	_ =	sdelay $0x3  }
0x36: {  	p1 =	seq.s32 s10, $0x1;
	s10 =	sld [smem:$0x3FB9];
	_ =	sdelay $0x3  }
0x37: {  	[smem:$0x3FB9] =	sst s10  }
0x38: {  	s10 =	sld [smem:$0x3FBA]  }
0x39: {  	_ = 	snop;
	(pc) =	sbr.ind lr, $3  }
0x3a: {  	_ = 	snop  }
0x3b: {  	_ = 	snop  }
0x3c: {  	p2 =	seq.s32 s10, $0x1;
	s10 =	sld [smem:$0x3FB9]  }
0x3d: {  	_ =	shalt  }
0x3e: {  	_ =	shalt  }
0x3f: {  	_ =	shalt  }
0x40: {  	_ =	shalt  }
0x41: {  	_ =	shalt  }
0x42: {  	_ =	shalt  }
0x43: {  	_ =	shalt  }
0x44: {  	_ =	shalt  }
0x45: {  	_ =	shalt  }
0x46: {  	_ =	shalt  }
0x47: {  	_ =	shalt  }
0x48: {  	_ =	shalt  }
0x49: {  	_ =	shalt  }
0x4a: {  	_ =	shalt  }
0x4b: {  	_ =	shalt  }
0x4c: {  	_ =	shalt  }
0x4d: {  	_ =	shalt  }
0x4e: {  	_ =	shalt  }
0x4f: {  	_ =	shalt  }
0x50: {  	_ =	shalt  }
0x51: {  	_ =	shalt  }
0x52: {  	_ =	shalt  }
0x53: {  	_ =	shalt  }
0x54: {  	_ =	shalt  }
0x55: {  	_ =	shalt  }
0x56: {  	_ =	shalt  }
0x57: {  	_ =	shalt  }
0x58: {  	_ =	shalt  }
0x59: {  	_ =	shalt  }
0x5a: {  	_ =	shalt  }
0x5b: {  	_ =	shalt  }
0x5c: {  	_ =	shalt  }
0x5d: {  	_ =	shalt  }
0x5e: {  	_ =	shalt  }
0x5f: {  	_ =	shalt  }
0x60: {  	_ =	shalt  }
0x61: {  	_ =	shalt  }
0x62: {  	_ =	shalt  }
0x63: {  	_ =	shalt  }
0x64: {  	_ =	shalt  }
0x65: {  	_ =	shalt  }
0x66: {  	_ =	shalt  }
0x67: {  	_ =	shalt  }
0x68: {  	_ =	shalt  }
0x69: {  	_ =	shalt  }
0x6a: {  	_ =	shalt  }
0x6b: {  	_ =	shalt  }
0x6c: {  	_ =	shalt  }
0x6d: {  	_ =	shalt  }
0x6e: {  	_ =	shalt  }
0x6f: {  	_ =	shalt  }
0x70: {  	_ =	shalt  }
0x71: {  	_ =	shalt  }
0x72: {  	_ =	shalt  }
0x73: {  	_ =	shalt  }
0x74: {  	_ =	shalt  }
0x75: {  	_ =	shalt  }
0x76: {  	_ =	shalt  }
0x77: {  	_ =	shalt  }
0x78: {  	_ =	shalt  }
0x79: {  	_ =	shalt  }
0x7a: {  	_ =	shalt  }
0x7b: {  	_ =	shalt  }
0x7c: {  	_ =	shalt  }
0x7d: {  	_ =	shalt  }
0x7e: {  	_ =	shalt  }
0x7f: {  	_ =	shalt  }
0x80: {  	_ =	shalt  }
0x81: {  	_ =	shalt  }
0x82: {  	_ =	shalt  }
0x83: {  	_ =	shalt  }
0x84: {  	_ =	shalt  }
0x85: {  	_ =	shalt  }
0x86: {  	_ =	shalt  }
0x87: {  	_ =	shalt  }
.Lfunc_end0:
.L_simem_size_0:
called_computation_lowered:
.L_overlay_start_0:
0x88: {  	s2 =	sld [smem:$0x3FD9]  }
0x89: {  	s3 =	sld [smem:$0x3FFE];
	_ =	sdelay $0x1  }
0x8a: {  	s1 =	srdreg.scid  }
0x8b: {  	s0 =	sand.u32 $0x1, s1  }
0x8c: {  	s15 =	sshll.u32 s0, $0xA;
	s2 =	sadd.s32 s3, s2  }
0x8d: {  	s2 =	sadd.s32 s2, s15  }
0x8e: {  	[smem:$0x3FC5] =	sst s2  }
0x8f: {  	_ = 	snop  }
0x90: {  	s2 =	sld [smem:$0x3FD0]  }
0x91: {  	s16 =	sld [smem:$0x3FC9]  }
0x92: {  	s4 =	sld [smem:$0x3FC8]  }
0x93: {  	s6 =	simm.s32 $0xA;
	s7 =	simm.s32 $0x10;
	s5 =	sld [smem:$0x3FC7]  }
0x94: {  	[smem:s7], [sflag:s6] =	dma.local [hbm:s2], $0x1  }
0x95: {  	_ =	swait.eq [sflag:s6], $0x1  }
0x96: {  	[sflag:s6] =	ssyncset.done $0x0  }
0x97: {  	s17 =	sld [smem:$0x10];
	[sflag:s6] =	ssyncadd.s32 $0xFFFFFFFF  }
0x98: {  	s18 =	sld [smem:$0x11];
	(tm) =	ssettm $0x1  }
0x99: {  	s19 =	sld [smem:$0x3FFB];
	_ =	sdelay $0x3  }
0x9a: {  	_ =	strace s19  }
0x9b: {  	s7 =	sld [smem:$0x3FFC];
	_ =	sdelay $0x3  }
0x9c: {  	_ =	strace s7  }
0x9d: {  	s7 =	sld [smem:$0x3FFD];
	_ =	sdelay $0x3  }
0x9e: {  	_ =	strace s7  }
0x9f: {  	_ =	strace $0x8FFFFFFF  }
0xa0: {  	s20 =	sld [smem:$0x3FDB];
	_ =	sdelay $0x1  }
0xa1: {  	s8 =	simm.s32 $_scs_section_size  }
0xa2: {  	s9 =	simm.s32 $_size__tile_overlayer_lowered;
	s10 =	simm.s32 $_tile_overlayer_lowered  }
0xa3: {  	s23 =	simm.s32 $0x1BFF;
	s22 =	sshll.u32 s10, $0x1;
	s7 =	sadd.s32 s8, s20  }
0xa4: {  	s11 =	simm.s32 $0x0;
	s21 =	sshll.u32 s9, $0x1;
	s9 =	sadd.s32 s22, s7  }
0xa5: {  	[timem:s11], [sflag:s23] =	dma.local [hbm:s9], s21  }
0xa6: {  	_ =	swait.ge [sflag:s23], s21  }
0xa7: {  	s8 =	ssub.s32 $0x0, s21;
	[sflag:s23] =	ssyncset.done $0x0  }
0xa8: {  	[sflag:s23] =	ssyncadd.s32 s8;
	_ =	sdelay $0x1  }
0xa9: {  	s24 =	simm.s32 $0x1B8B  }
0xaa: {  	_ =	swait.ge [sflag:s24], $0x1  }
0xab: {  	[sflag:s24] =	ssyncset.done $0x0  }
0xac: {  	s25 =	simm.s32 $0x1B8E;
	[sflag:s24] =	ssyncadd.s32 $0xFFFFFFFF  }
0xad: {  	s26 =	simm.s32 $execute0_lowered;
	[smem:$0x3FD2] =	sst s25  }
0xae: {  	s8 =	sshll.u32 s26, $0x1;
	_ =	strace $0x80000046;
	[dreg:$0x1] =	wrdreg $0xFFFFFFFF  }
0xaf: {  	s28 =	simm.s32 $_size_execute0_lowered;
	s7 =	sadd.s32 s7, s8;
	[dreg:$0x0] =	wrdreg $0x0  }
0xb0: {  	s8 =	sshll.u32 s28, $0x1;
	[dreg:$0x2] =	wrdreg s7  }
0xb1: {  	[dreg:$0x3] =	wrdreg s8  }
0xb2: {  	[dreg:$0x4] =	wrdreg $0xC0  }
0xb3: {  	_ =	task [dreg:s11], $0x5FFFF  }
0xb4: {  	[dreg:$0x1] =	wrdreg $0xFFFFFFFF  }
0xb5: {  	[dreg:$0x0] =	wrdreg $0x60  }
0xb6: {  	[dreg:$0x2] =	wrdreg s16  }
0xb7: {  	[dreg:$0x3] =	wrdreg s4  }
0xb8: {  	[dreg:$0x4] =	wrdreg s5  }
0xb9: {  	[dreg:$0x5] =	wrdreg s17  }
0xba: {  	[dreg:$0x6] =	wrdreg s18  }
0xbb: {  	[dreg:$0x7] =	wrdreg $0x9  }
0xbc: {  	_ =	task.clear_ibuf [dreg:s11], $0x8FFFF;
	_ =	strace $0x90000046  }
0xbd: {  	s29 =	simm.s32 $0x9;
	_ =	strace $0x80000048  }
0xbe: {  	_ =	swait.ge [sflag:s29], $0x1  }
0xbf: {  	[sflag:s29] =	ssyncadd.s32 $0xFFFFFFFF  }
0xc0: {  	_ =	strace $0x90000048  }
0xc1: {  	_ =	sfence  }
0xc2: {  	s30 =	sld [smem:$0x0];
	_ =	sdelay $0x2  }
0xc3: {  	s31 =	sshll.u32 s1, $0xD;
	s1 =	sshrl.u32 s1, $0x2  }
0xc4: {  	s3 =	sand.u32 $0x4000, s31;
	s1 =	sadd.s32 s1, s30  }
0xc5: {  	s0 =	sor.u32 s3, s0;
	s1 =	sshll.u32 s1, $0x11  }
0xc6: {  	s0 =	sor.u32 s1, s0  }
0xc7: {  	s0 =	sadd.s32 $0x8F2B, s0  }
0xc8: {  	[sflag:s0] =	ssyncadd.remote.s32 $0x1  }
0xc9: {  	_ =	sfence.sel $0xFFFF  }
0xca: {  	[dreg:$0x0] =	wrdreg $0xFFFFFFFF;
	(pc) =	sbr.abs _section_cstart, $3  }
0xcb: {  	[dreg:$0x1] =	wrdreg $0xFFFFFFFF  }
0xcc: {  	_ =	task.clear_ibuf [dreg:s11], $0x2FFFF;
	_ =	strace $0x9FFFFFFF  }
0xcd: {  	(tm) =	ssettm $0x7FFFFFFF  }
tec
execute0_lowered:
.L_overlay_start_1:
0x0: {  	(tag) =	ssettag $0x1  }
0x1: {  	s6 =	rddreg [dreg:$0x0]  }
0x2: {  	s2 =	rddreg [dreg:$0x1]  }
0x3: {  	s3 =	rddreg [dreg:$0x2]  }
0x4: {  	s9 =	rddreg [dreg:$0x3]  }
0x5: {  	s1 =	srdreg.scid;
	s0 =	stileid.u32  }
0x6: {  	s4 =	rddreg [dreg:$0x4];
	s10 =	sand.u32 $0x1, s1;
	s7 =	sshll.u32 s0, $0x1  }
0x7: {  	s5 =	simm.s32 $0x0;
	s1 =	rddreg [dreg:$0x5];
	s11 =	sor.u32 s10, s7  }
0x8: {  	[smem:$0x7FF] =	sst s5;
	s7 =	sshll.u32 s11, $0x6  }
0x9: {  	_ =	strace $0x80000047;
	s6 =	sadd.s32 s6, s7;
	s7 =	simm.s32 $0x1  }
0xa: {  	[tilespmem:s5], [sflag:$0x1] =	stream.linear.gather [hbm4b:s6+s5], $0x200, $0x38;
	[tilespmem:$0x10280] =	vst v63  }
0xb: {  	_ =	swait.ge [sflag:s7], $0x200  }
0xc: {  	[sflag:s7] =	ssyncset.done $0x0  }
0xd: {  	s8 =	simm.s32 $0x200;
	[sflag:s7] =	ssyncadd.s32 $0xFFFFFE00  }
0xe: {  	[tilespmem:s8], [sflag:$0x1] =	stream.indirect.gather [hbm4b:s3+s8], $0x80, s5, s8, $0xb8;
	[tilespmem:$0x10280] =	vst v63  }
0xf: {  	s13 =	ssub.s32 $0x2, s10;
	_ =	swait.ge [sflag:s7], $0x10000  }
0x10: {  	s12 =	sshll.u32 s11, $0xD;
	p0 =	sne.s32 s11, $0x0;
	[sflag:s7] =	ssyncset.done $0x0  }
0x11: {  	s14 =	sshrl.u32 s13, $0x1;
	s9 =	sadd.s32 s9, s12;
	[sflag:s7] =	ssyncadd.s32 $0xFFFF0000  }
0x12: {  	[hbm4b:s9+s5] =	stream.linear.scatter [tilespmem:s8], [sflag:$0x1], $0x10000, $0x38;
	[tilespmem:$0x10280] =	vst v63  }
0x13: {  	s10 =	simm.s32 @!p0 $0x1;
	s13 =	ssub.s32 s13, s14;
	_ =	swait.ge [sflag:s7], $0x10000  }
0x14: {  	s11 =	simm.s32 @!p0 $0x0;
	s13 =	smax.u32 s13, $0x1;
	[sflag:s7] =	ssyncset.done $0x0  }
0x15: {  	s12 =	simm.s32 @!p0 $0x10200;
	s13 =	sadd.s32 $0xFFFFFFFF, s13;
	[sflag:s7] =	ssyncadd.s32 $0xFFFF0000  }
0x16: {  	[tilespmem:s12], [sflag:$0x1] =	stream.linear.gather @!p0 [hbm4b:s2+s11], $0x80, $0x38;
	[tilespmem:$0x10280] =	vst v63  }
0x17: {  	p1 =	sne.s32 s13, $0x0;
	_ =	swait.ge @!p0 [sflag:s10], $0x80  }
.Ltmp0:
0x18: {  	[sflag:s10] =	ssyncset.done @!p0 $0x0;
	(pc) =	sbr.rel @!p1 .LBB2_2-.Ltmp0, $4  }
0x19: {  	[sflag:s10] =	ssyncadd.s32 @!p0 $0xFFFFFF80  }
0x1a: {  	[hbm4b:s4+s11] =	stream.linear.scatter @!p0 [tilespmem:s12], [sflag:$0x1], $0x80, $0x38;
	[tilespmem:$0x10280] =	vst v63  }
0x1b: {  	_ =	swait.ge @!p0 [sflag:s10], $0x80  }
0x1c: {  	[sflag:s10] =	ssyncset.done @!p0 $0x0  }
.LBB2_1:
0x1d: {  	s13 =	sadd.s32 $0xFFFFFFFF, s13;
	[sflag:s10] =	ssyncadd.s32 @!p0 $0xFFFFFF80  }
0x1e: {  	[tilespmem:s5], [sflag:$0x1] =	stream.linear.gather [hbm4b:s6+s5], $0x200, $0x38;
	[tilespmem:$0x10280] =	vst v63  }
0x1f: {  	p1 =	sne.s32 s13, $0x0;
	_ =	swait.ge [sflag:s7], $0x200  }
0x20: {  	[sflag:s7] =	ssyncset.done $0x0  }
0x21: {  	[sflag:s7] =	ssyncadd.s32 $0xFFFFFE00  }
0x22: {  	[tilespmem:s8], [sflag:$0x1] =	stream.indirect.gather [hbm4b:s3+s8], $0x80, s5, s8, $0xb8;
	[tilespmem:$0x10280] =	vst v63  }
0x23: {  	_ =	swait.ge [sflag:s7], $0x10000  }
0x24: {  	[sflag:s7] =	ssyncset.done $0x0  }
0x25: {  	[sflag:s7] =	ssyncadd.s32 $0xFFFF0000  }
0x26: {  	[hbm4b:s9+s5] =	stream.linear.scatter [tilespmem:s8], [sflag:$0x1], $0x10000, $0x38;
	[tilespmem:$0x10280] =	vst v63  }
0x27: {  	_ =	swait.ge [sflag:s7], $0x10000  }
0x28: {  	[sflag:s7] =	ssyncset.done $0x0  }
0x29: {  	[sflag:s7] =	ssyncadd.s32 $0xFFFF0000  }
0x2a: {  	[tilespmem:s12], [sflag:$0x1] =	stream.linear.gather @!p0 [hbm4b:s2+s11], $0x80, $0x38;
	[tilespmem:$0x10280] =	vst v63  }
0x2b: {  	_ =	swait.ge @!p0 [sflag:s10], $0x80  }
.Ltmp1:
0x2c: {  	[sflag:s10] =	ssyncset.done @!p0 $0x0;
	(pc) =	sbr.rel @p1 .LBB2_1-.Ltmp1, $4  }
0x2d: {  	[sflag:s10] =	ssyncadd.s32 @!p0 $0xFFFFFF80  }
0x2e: {  	[hbm4b:s4+s11] =	stream.linear.scatter @!p0 [tilespmem:s12], [sflag:$0x1], $0x80, $0x38;
	[tilespmem:$0x10280] =	vst v63  }
0x2f: {  	_ =	swait.ge @!p0 [sflag:s10], $0x80  }
0x30: {  	[sflag:s10] =	ssyncset.done @!p0 $0x0  }
.LBB2_2:
0x31: {  	[sflag:s10] =	ssyncadd.s32 @!p0 $0xFFFFFF80  }
0x32: {  	_ =	sfence.sel $0x180000  }
0x33: {  	[bflag:$0x0] =	sbarrier.arrive $0xFFFF  }
0x34: {  	p0 =	sne.s32 s0, $0x0;
	_ =	strace $0x90000047  }
0x35: {  	s0 =	sadd.s32 @!p0 $0x100000, s1;
	[bflag:$0x2] =	sbarrier.arrive $0xFFFF  }
0x36: {  	[sflag:s0] =	ssyncadd.tile.s32 @!p0 $0x1;
	_ =	shalt  }
.Lfunc_end2:
_tile_overlayer_lowered:
.L_overlay_start_2:
0x37: {  	(tag) =	ssettag $0x2  }
0x38: {  	s0 =	rddreg [dreg:$0x0];
	s2 =	stileid.u32  }
0x39: {  	s1 =	rddreg [dreg:$0x1];
	p0 =	sne.s32 s2, $0x0  }
0x3a: {  	s3 =	rddreg [dreg:$0x2];
	[bflag:$0x3] =	sbarrier.arrive $0xFFFF;
	s2 =	simm.s32 @!p0 $0x1C01  }
0x3b: {  	[timem:s3], [sflag:s2] =	dma.local @!p0 [hbm:s0], s1  }
0x3c: {  	s0 =	simm.s32 @!p0 $0x1  }
0x3d: {  	_ =	swait.ge @!p0 [sflag:s0], s1  }
0x3e: {  	s1 =	ssub.s32 @!p0 $0x0, s1;
	[sflag:s0] =	ssyncset.done @!p0 $0x0  }
0x3f: {  	[sflag:s0] =	ssyncadd.s32 @!p0 s1  }
0x40: {  	[bflag:$0x3] =	sbarrier.arrive $0xFFFF  }
0x41: {  	_ =	shalt  }

</sc_bundles>
